<compile_context>
chip_gen: v7x
topology: tpu7x:2x2x1
jax: 0.10.2.dev20260603
libtpu: 0.0.44.dev20260713+nightly
codegen_flags: <defaults>
</compile_context>

<pallas_src>
import functools

import jax
import jax.numpy as jnp
from jax import lax
from jax.experimental import pallas as pl
from jax.experimental.pallas import tpu as pltpu
from jax.experimental.pallas import tpu_sc as plsc

BATCH = 4096
SEQ = 200
D = 64
NUM_CLASSES = 5

NUM_CORES = 2
NUM_SUBCORES = 16
NUM_WORKERS = NUM_CORES * NUM_SUBCORES
B_PER_W = BATCH // NUM_WORKERS
SEQ_PAD = 208
CHUNKS = ((0, 128), (128, 72))
LANES = 16
DV = D // LANES


def _sc_pooled_sums(x, table):
  mesh = plsc.VectorSubcoreMesh(core_axis_name="c", subcore_axis_name="s")

  @functools.partial(
      pl.kernel,
      mesh=mesh,
      compiler_params=pltpu.CompilerParams(use_tc_tiling_on_sc=False),
      out_type=jax.ShapeDtypeStruct((BATCH, D), jnp.float32),
      scratch_types=[
          pltpu.VMEM((B_PER_W, SEQ_PAD), jnp.int32),
          pltpu.VMEM((2, SEQ, D), jnp.float32),
          pltpu.VMEM((B_PER_W, D), jnp.float32),
          pltpu.SemaphoreType.DMA,
          pltpu.SemaphoreType.DMA,
      ],
  )
  def sc_kernel(x_hbm, table_hbm, out_hbm, idx_v, rows_v, acc_v, sem0, sem1):
    wid = lax.axis_index("s") * NUM_CORES + lax.axis_index("c")
    base = wid * B_PER_W
    sems = (sem0, sem1)
    pltpu.sync_copy(
        x_hbm.at[pl.ds(base, B_PER_W)],
        idx_v.at[:, pl.ds(0, SEQ)],
    )

    def issue(b, buf):
      for off, ln in CHUNKS:
        pltpu.async_copy(
            table_hbm.at[idx_v.at[b, pl.ds(off, ln)]],
            rows_v.at[buf, pl.ds(off, ln)],
            sems[buf],
        )

    def wait(b, buf):
      for off, ln in CHUNKS:
        pltpu.make_async_copy(
            table_hbm.at[idx_v.at[b, pl.ds(off, ln)]],
            rows_v.at[buf, pl.ds(off, ln)],
            sems[buf],
        ).wait()

    def reduce_into(b, buf):
      def red_body(r, carry):
        out = []
        for k in range(DV):
          a = carry[k]
          a = a + rows_v[buf, r, pl.ds(k * LANES, LANES)]
          a = a + rows_v[buf, r + 1, pl.ds(k * LANES, LANES)]
          out.append(a)
        return tuple(out)

      zeros = tuple(jnp.zeros((LANES,), jnp.float32) for _ in range(DV))
      acc = lax.fori_loop(0, SEQ // 2, lambda r, c: red_body(2 * r, c), zeros)
      for k in range(DV):
        acc_v[b, pl.ds(k * LANES, LANES)] = acc[k]

    issue(0, 0)

    def pair_body(p, _):
      b0 = 2 * p
      issue(b0 + 1, 1)
      wait(b0, 0)
      reduce_into(b0, 0)

      @pl.when(p < B_PER_W // 2 - 1)
      def _():
        issue(b0 + 2, 0)

      wait(b0 + 1, 1)
      reduce_into(b0 + 1, 1)
      return 0

    lax.fori_loop(0, B_PER_W // 2, pair_body, 0)
    pltpu.sync_copy(acc_v, out_hbm.at[pl.ds(base, B_PER_W)])

  return sc_kernel(x, table)


def _tc_epilogue(sums, x, t0, W, b):

  def tc_kernel(sums_ref, x_ref, t0_ref, w_ref, b_ref, out_ref):
    n0 = jnp.sum((x_ref[...] == 0).astype(jnp.float32), axis=1, keepdims=True)
    mean = (sums_ref[...] - n0 * t0_ref[...]) * (1.0 / SEQ)
    out_ref[...] = (
        jnp.dot(mean, w_ref[...].T, preferred_element_type=jnp.float32)
        + b_ref[...]
    )

  return pl.pallas_call(
      tc_kernel,
      out_shape=jax.ShapeDtypeStruct((BATCH, NUM_CLASSES), jnp.float32),
  )(sums, x, t0, W, b)


def kernel(x, table, W, b):
  sums = _sc_pooled_sums(x, table)
  t0 = lax.slice(table, (0, 0), (1, D))
  return _tc_epilogue(sums, x, t0, W, b.reshape(1, NUM_CLASSES))

# --- scband reference (transcript-rebuilt; emitter-appended) ---
"""Pipeline reference for scband-fast-text-57698590655178 (READ-ONLY COPY).

The authoritative reference and input builder live on the scoring server;
editing this copy changes nothing except your own understanding.
"""

import jax, jax.numpy as jnp
import numpy as np

VOCAB = 1000000
EMBED_DIM = 64
NUM_CLASSES = 5
BATCH = 4096
SEQ = 200


def setup_inputs(seed: int = 0) -> dict:
    key = jax.random.key(seed)
    k1, k2, k3, k4 = jax.random.split(key, 4)
    x = jax.random.randint(k1, (BATCH, SEQ), 0, VOCAB, dtype=jnp.int32)
    table = jax.random.normal(k2, (VOCAB, EMBED_DIM), dtype=jnp.float32)
    W = jax.random.normal(k3, (NUM_CLASSES, EMBED_DIM), dtype=jnp.float32) * (1.0 / np.sqrt(EMBED_DIM))
    b = jax.random.normal(k4, (NUM_CLASSES,), dtype=jnp.float32) * 0.01
    return {"x": x, "table": table, "W": W, "b": b}


def reference(x, table, W, b):
    # nn.Embedding with padding_idx=0 -> row 0 of the table is forced to zero
    t = table.at[0].set(0.0)
    o1 = jnp.take(t, x, axis=0)          # [B, S, D] gather (embedding lookup)
    o2 = jnp.mean(o1, axis=1)            # [B, D] mean pooling over sequence
    y = o2 @ W.T + b                     # [B, num_classes] linear layer
    return y

if __name__ == "__main__":
    import jax
    _d = setup_inputs()
    print(jax.jit(kernel)(*tuple(_d.values())))

</pallas_src>

<mosaic_0001>
#map = affine_map<(d0, d1) -> (0, 0)>
module attributes {stable_mosaic.version = 14 : i64} {
  func.func @sc_kernel(%arg0: i32, %arg1: i32, %arg2: memref<4096x200xi32, #tpu.memory_space<hbm>>, %arg3: memref<1000000x64xf32, #tpu.memory_space<hbm>>, %arg4: memref<4096x64xf32, #tpu.memory_space<hbm>>, %arg5: memref<128x208xi32, #tpu.memory_space<vmem>>, %arg6: memref<2x200x64xf32, #tpu.memory_space<vmem>>, %arg7: memref<128x64xf32, #tpu.memory_space<vmem>>, %arg8: memref<!tpu.dma_semaphore, #tpu.memory_space<semaphore_mem>>, %arg9: memref<!tpu.dma_semaphore, #tpu.memory_space<semaphore_mem>>) attributes {dimension_semantics = [#tpu.dimension_semantics<core_parallel>, #tpu.dimension_semantics<subcore_parallel>], iteration_bounds = array<i64: 2, 16>, scalar_prefetch = 0 : i64, scratch_operands = 5 : i64, tpu.core_type = #tpu.core_type<sc_vector_subcore>, window_params = [{transform_indices = #map}, {transform_indices = #map}, {transform_indices = #map}]} {
    %mul3A = arith.constant 2 : i32
    %mul3A_0 = arith.muli %arg1, %mul3A : i32
    %add3A = arith.addi %mul3A_0, %arg0 : i32
    %mul3A_1 = arith.constant 128 : i32
    %mul3A_2 = arith.muli %add3A, %mul3A_1 : i32
    "tpu.region"() ({
      %run_scoped3A = tpu.sem_alloc : memref<!tpu.dma_semaphore, #tpu.memory_space<semaphore_mem>>
      %dma_start3A_32 = arith.constant 0 : i32
      %dma_start3A_33 = arith.constant 0 : i32
      %dma_start3A_34 = tpu.memref_slice %arg5[%dma_start3A_32, %dma_start3A_33] : memref<128x208xi32, #tpu.memory_space<vmem>> -> memref<128x200xi32, #tpu.memory_space<vmem>>
      %dma_start3A_35 = arith.constant 0 : i32
      %dma_start3A_36 = tpu.memref_slice %arg2[%mul3A_2, %dma_start3A_35] : memref<4096x200xi32, #tpu.memory_space<hbm>> -> memref<128x200xi32, #tpu.memory_space<hbm>>
      %dma_start3A_37 = arith.constant 0 : i32
      %dma_start3A_38 = arith.constant 0 : i32
      %dma_start3A_39 = tpu.memref_slice %arg5[%dma_start3A_37, %dma_start3A_38] : memref<128x208xi32, #tpu.memory_space<vmem>> -> memref<128x200xi32, #tpu.memory_space<vmem>>
      %dma_start3A_40 = arith.constant 0 : i32
      %dma_start3A_41 = tpu.memref_slice %arg2[%mul3A_2, %dma_start3A_40] : memref<4096x200xi32, #tpu.memory_space<hbm>> -> memref<128x200xi32, #tpu.memory_space<hbm>>
      tpu.enqueue_dma source(%dma_start3A_41 : memref<128x200xi32, #tpu.memory_space<hbm>>) target(%dma_start3A_39 : memref<128x200xi32, #tpu.memory_space<vmem>>) target_semaphore(%run_scoped3A : memref<!tpu.dma_semaphore, #tpu.memory_space<semaphore_mem>>)
      %dma_wait3A = arith.constant 0 : i32
      %dma_wait3A_42 = arith.constant 0 : i32
      %dma_wait3A_43 = tpu.memref_slice %arg5[%dma_wait3A, %dma_wait3A_42] : memref<128x208xi32, #tpu.memory_space<vmem>> -> memref<128x200xi32, #tpu.memory_space<vmem>>
      %dma_wait3A_44 = arith.constant 0 : i32
      %dma_wait3A_45 = tpu.memref_slice %arg2[%mul3A_2, %dma_wait3A_44] : memref<4096x200xi32, #tpu.memory_space<hbm>> -> memref<128x200xi32, #tpu.memory_space<hbm>>
      %dma_wait3A_46 = arith.constant 0 : i32
      %dma_wait3A_47 = arith.constant 0 : i32
      %dma_wait3A_48 = tpu.memref_slice %arg5[%dma_wait3A_46, %dma_wait3A_47] : memref<128x208xi32, #tpu.memory_space<vmem>> -> memref<128x200xi32, #tpu.memory_space<vmem>>
      %dma_wait3A_49 = arith.constant 0 : i32
      %dma_wait3A_50 = tpu.memref_slice %arg2[%mul3A_2, %dma_wait3A_49] : memref<4096x200xi32, #tpu.memory_space<hbm>> -> memref<128x200xi32, #tpu.memory_space<hbm>>
      tpu.wait_dma2 semaphore(%run_scoped3A : memref<!tpu.dma_semaphore, #tpu.memory_space<semaphore_mem>>) src(%dma_wait3A_50 : memref<128x200xi32, #tpu.memory_space<hbm>>) dst(%dma_wait3A_48 : memref<128x200xi32, #tpu.memory_space<vmem>>)
      tpu.yield
    }) : () -> ()
    %dma_start3A = arith.constant 0 : i32
    %dma_start3A_3 = arith.constant 0 : i32
    %dma_start3A_4 = arith.constant 0 : i32
    %dma_start3A_5 = arith.constant 0 : i32
    %dma_start3A_6 = tpu.memref_slice %arg6[%dma_start3A_3, %dma_start3A_4, %dma_start3A_5] : memref<2x200x64xf32, #tpu.memory_space<vmem>> -> memref<1x128x64xf32, #tpu.memory_space<vmem>>
    %dma_start3A_7 = tpu.memref_squeeze %dma_start3A_6 : memref<1x128x64xf32, #tpu.memory_space<vmem>> -> memref<128x64xf32, #tpu.memory_space<vmem>>
    %dma_start3A_8 = arith.constant 0 : i32
    %dma_start3A_9 = tpu.memref_slice %arg5[%dma_start3A, %dma_start3A_8] : memref<128x208xi32, #tpu.memory_space<vmem>> -> memref<1x128xi32, #tpu.memory_space<vmem>>
    %dma_start3A_10 = tpu.memref_squeeze %dma_start3A_9 : memref<1x128xi32, #tpu.memory_space<vmem>> -> memref<128xi32, #tpu.memory_space<vmem>>
    %dma_start3A_11 = arith.constant 0 : i32
    %dma_start3A_12 = arith.constant 0 : i32
    %dma_start3A_13 = tpu.memref_slice %arg3[%dma_start3A_11, %dma_start3A_12] : memref<1000000x64xf32, #tpu.memory_space<hbm>> -> memref<1000000x64xf32, #tpu.memory_space<hbm>>
    tpu.enqueue_indirect_dma source(%dma_start3A_13 : memref<1000000x64xf32, #tpu.memory_space<hbm>>) target(%dma_start3A_7 : memref<128x64xf32, #tpu.memory_space<vmem>>) offsets(%dma_start3A_10 : memref<128xi32, #tpu.memory_space<vmem>>) semaphore(%arg8 : memref<!tpu.dma_semaphore, #tpu.memory_space<semaphore_mem>>)
    %dma_start3A_14 = arith.constant 0 : i32
    %dma_start3A_15 = arith.constant 0 : i32
    %dma_start3A_16 = arith.constant 128 : i32
    %dma_start3A_17 = arith.constant 0 : i32
    %dma_start3A_18 = tpu.memref_slice %arg6[%dma_start3A_15, %dma_start3A_16, %dma_start3A_17] : memref<2x200x64xf32, #tpu.memory_space<vmem>> -> memref<1x72x64xf32, #tpu.memory_space<vmem>>
    %dma_start3A_19 = tpu.memref_squeeze %dma_start3A_18 : memref<1x72x64xf32, #tpu.memory_space<vmem>> -> memref<72x64xf32, #tpu.memory_space<vmem>>
    %dma_start3A_20 = arith.constant 128 : i32
    %dma_start3A_21 = tpu.memref_slice %arg5[%dma_start3A_14, %dma_start3A_20] : memref<128x208xi32, #tpu.memory_space<vmem>> -> memref<1x72xi32, #tpu.memory_space<vmem>>
    %dma_start3A_22 = tpu.memref_squeeze %dma_start3A_21 : memref<1x72xi32, #tpu.memory_space<vmem>> -> memref<72xi32, #tpu.memory_space<vmem>>
    %dma_start3A_23 = arith.constant 0 : i32
    %dma_start3A_24 = arith.constant 0 : i32
    %dma_start3A_25 = tpu.memref_slice %arg3[%dma_start3A_23, %dma_start3A_24] : memref<1000000x64xf32, #tpu.memory_space<hbm>> -> memref<1000000x64xf32, #tpu.memory_space<hbm>>
    tpu.enqueue_indirect_dma source(%dma_start3A_25 : memref<1000000x64xf32, #tpu.memory_space<hbm>>) target(%dma_start3A_19 : memref<72x64xf32, #tpu.memory_space<vmem>>) offsets(%dma_start3A_22 : memref<72xi32, #tpu.memory_space<vmem>>) semaphore(%arg8 : memref<!tpu.dma_semaphore, #tpu.memory_space<semaphore_mem>>)
    %scan3A = arith.constant 0 : i32
    %scan3A_26 = arith.constant 0 : i32
    %scan3A_27 = arith.constant 64 : i32
    %scan3A_28 = arith.addi %scan3A_26, %scan3A_27 : i32
    %scan3A_29 = arith.constant 1 : i32
    %scan3A_30 = scf.for %scan3A_32 = %scan3A_26 to %scan3A_28 step %scan3A_29 iter_args(%scan3A_33 = %scan3A) -> (i32)  : i32 {
      %mul3A_34 = arith.constant 2 : i32
      %mul3A_35 = arith.muli %mul3A_34, %scan3A_32 : i32
      %add3A_36 = arith.constant 1 : i32
      %add3A_37 = arith.addi %mul3A_35, %add3A_36 : i32
      %dma_start3A_38 = arith.constant 1 : i32
      %dma_start3A_39 = arith.constant 0 : i32
      %dma_start3A_40 = arith.constant 0 : i32
      %dma_start3A_41 = tpu.memref_slice %arg6[%dma_start3A_38, %dma_start3A_39, %dma_start3A_40] : memref<2x200x64xf32, #tpu.memory_space<vmem>> -> memref<1x128x64xf32, #tpu.memory_space<vmem>>
      %dma_start3A_42 = tpu.memref_squeeze %dma_start3A_41 : memref<1x128x64xf32, #tpu.memory_space<vmem>> -> memref<128x64xf32, #tpu.memory_space<vmem>>
      %dma_start3A_43 = arith.constant 0 : i32
      %dma_start3A_44 = tpu.memref_slice %arg5[%add3A_37, %dma_start3A_43] : memref<128x208xi32, #tpu.memory_space<vmem>> -> memref<1x128xi32, #tpu.memory_space<vmem>>
      %dma_start3A_45 = tpu.memref_squeeze %dma_start3A_44 : memref<1x128xi32, #tpu.memory_space<vmem>> -> memref<128xi32, #tpu.memory_space<vmem>>
      %dma_start3A_46 = arith.constant 0 : i32
      %dma_start3A_47 = arith.constant 0 : i32
      %dma_start3A_48 = tpu.memref_slice %arg3[%dma_start3A_46, %dma_start3A_47] : memref<1000000x64xf32, #tpu.memory_space<hbm>> -> memref<1000000x64xf32, #tpu.memory_space<hbm>>
      tpu.enqueue_indirect_dma source(%dma_start3A_48 : memref<1000000x64xf32, #tpu.memory_space<hbm>>) target(%dma_start3A_42 : memref<128x64xf32, #tpu.memory_space<vmem>>) offsets(%dma_start3A_45 : memref<128xi32, #tpu.memory_space<vmem>>) semaphore(%arg9 : memref<!tpu.dma_semaphore, #tpu.memory_space<semaphore_mem>>)
      %dma_start3A_49 = arith.constant 1 : i32
      %dma_start3A_50 = arith.constant 128 : i32
      %dma_start3A_51 = arith.constant 0 : i32
      %dma_start3A_52 = tpu.memref_slice %arg6[%dma_start3A_49, %dma_start3A_50, %dma_start3A_51] : memref<2x200x64xf32, #tpu.memory_space<vmem>> -> memref<1x72x64xf32, #tpu.memory_space<vmem>>
      %dma_start3A_53 = tpu.memref_squeeze %dma_start3A_52 : memref<1x72x64xf32, #tpu.memory_space<vmem>> -> memref<72x64xf32, #tpu.memory_space<vmem>>
      %dma_start3A_54 = arith.constant 128 : i32
      %dma_start3A_55 = tpu.memref_slice %arg5[%add3A_37, %dma_start3A_54] : memref<128x208xi32, #tpu.memory_space<vmem>> -> memref<1x72xi32, #tpu.memory_space<vmem>>
      %dma_start3A_56 = tpu.memref_squeeze %dma_start3A_55 : memref<1x72xi32, #tpu.memory_space<vmem>> -> memref<72xi32, #tpu.memory_space<vmem>>
      %dma_start3A_57 = arith.constant 0 : i32
      %dma_start3A_58 = arith.constant 0 : i32
      %dma_start3A_59 = tpu.memref_slice %arg3[%dma_start3A_57, %dma_start3A_58] : memref<1000000x64xf32, #tpu.memory_space<hbm>> -> memref<1000000x64xf32, #tpu.memory_space<hbm>>
      tpu.enqueue_indirect_dma source(%dma_start3A_59 : memref<1000000x64xf32, #tpu.memory_space<hbm>>) target(%dma_start3A_53 : memref<72x64xf32, #tpu.memory_space<vmem>>) offsets(%dma_start3A_56 : memref<72xi32, #tpu.memory_space<vmem>>) semaphore(%arg9 : memref<!tpu.dma_semaphore, #tpu.memory_space<semaphore_mem>>)
      %dma_wait3A = arith.constant 0 : i32
      %dma_wait3A_60 = arith.constant 0 : i32
      %dma_wait3A_61 = arith.constant 0 : i32
      %dma_wait3A_62 = tpu.memref_slice %arg6[%dma_wait3A, %dma_wait3A_60, %dma_wait3A_61] : memref<2x200x64xf32, #tpu.memory_space<vmem>> -> memref<1x128x64xf32, #tpu.memory_space<vmem>>
      %dma_wait3A_63 = tpu.memref_squeeze %dma_wait3A_62 : memref<1x128x64xf32, #tpu.memory_space<vmem>> -> memref<128x64xf32, #tpu.memory_space<vmem>>
      %dma_wait3A_64 = arith.constant 0 : i32
      %dma_wait3A_65 = tpu.memref_slice %arg5[%mul3A_35, %dma_wait3A_64] : memref<128x208xi32, #tpu.memory_space<vmem>> -> memref<1x128xi32, #tpu.memory_space<vmem>>
      %dma_wait3A_66 = tpu.memref_squeeze %dma_wait3A_65 : memref<1x128xi32, #tpu.memory_space<vmem>> -> memref<128xi32, #tpu.memory_space<vmem>>
      %dma_wait3A_67 = arith.constant 0 : i32
      %dma_wait3A_68 = arith.constant 0 : i32
      %dma_wait3A_69 = tpu.memref_slice %arg3[%dma_wait3A_67, %dma_wait3A_68] : memref<1000000x64xf32, #tpu.memory_space<hbm>> -> memref<1000000x64xf32, #tpu.memory_space<hbm>>
      tpu.wait_indirect_dma semaphore(%arg8 : memref<!tpu.dma_semaphore, #tpu.memory_space<semaphore_mem>>) src(%dma_wait3A_69 : memref<1000000x64xf32, #tpu.memory_space<hbm>>) dst(%dma_wait3A_63 : memref<128x64xf32, #tpu.memory_space<vmem>>)
      %dma_wait3A_70 = arith.constant 0 : i32
      %dma_wait3A_71 = arith.constant 128 : i32
      %dma_wait3A_72 = arith.constant 0 : i32
      %dma_wait3A_73 = tpu.memref_slice %arg6[%dma_wait3A_70, %dma_wait3A_71, %dma_wait3A_72] : memref<2x200x64xf32, #tpu.memory_space<vmem>> -> memref<1x72x64xf32, #tpu.memory_space<vmem>>
      %dma_wait3A_74 = tpu.memref_squeeze %dma_wait3A_73 : memref<1x72x64xf32, #tpu.memory_space<vmem>> -> memref<72x64xf32, #tpu.memory_space<vmem>>
      %dma_wait3A_75 = arith.constant 128 : i32
      %dma_wait3A_76 = tpu.memref_slice %arg5[%mul3A_35, %dma_wait3A_75] : memref<128x208xi32, #tpu.memory_space<vmem>> -> memref<1x72xi32, #tpu.memory_space<vmem>>
      %dma_wait3A_77 = tpu.memref_squeeze %dma_wait3A_76 : memref<1x72xi32, #tpu.memory_space<vmem>> -> memref<72xi32, #tpu.memory_space<vmem>>
      %dma_wait3A_78 = arith.constant 0 : i32
      %dma_wait3A_79 = arith.constant 0 : i32
      %dma_wait3A_80 = tpu.memref_slice %arg3[%dma_wait3A_78, %dma_wait3A_79] : memref<1000000x64xf32, #tpu.memory_space<hbm>> -> memref<1000000x64xf32, #tpu.memory_space<hbm>>
      tpu.wait_indirect_dma semaphore(%arg8 : memref<!tpu.dma_semaphore, #tpu.memory_space<semaphore_mem>>) src(%dma_wait3A_80 : memref<1000000x64xf32, #tpu.memory_space<hbm>>) dst(%dma_wait3A_74 : memref<72x64xf32, #tpu.memory_space<vmem>>)
      %broadcast_in_dim3A = arith.constant 0.000000e+00 : f32
      %broadcast_in_dim3A_81 = vector.broadcast %broadcast_in_dim3A : f32 to vector<16xf32>
      %broadcast_in_dim3A_82 = arith.constant 0.000000e+00 : f32
      %broadcast_in_dim3A_83 = vector.broadcast %broadcast_in_dim3A_82 : f32 to vector<16xf32>
      %broadcast_in_dim3A_84 = arith.constant 0.000000e+00 : f32
      %broadcast_in_dim3A_85 = vector.broadcast %broadcast_in_dim3A_84 : f32 to vector<16xf32>
      %broadcast_in_dim3A_86 = arith.constant 0.000000e+00 : f32
      %broadcast_in_dim3A_87 = vector.broadcast %broadcast_in_dim3A_86 : f32 to vector<16xf32>
      %scan3A_88 = arith.constant 0 : i32
      %scan3A_89 = arith.constant 100 : i32
      %scan3A_90 = arith.addi %scan3A_88, %scan3A_89 : i32
      %scan3A_91 = arith.constant 1 : i32
      %scan3A_92:4 = scf.for %scan3A_176 = %scan3A_88 to %scan3A_90 step %scan3A_91 iter_args(%scan3A_177 = %broadcast_in_dim3A_81, %scan3A_178 = %broadcast_in_dim3A_83, %scan3A_179 = %broadcast_in_dim3A_85, %scan3A_180 = %broadcast_in_dim3A_87) -> (vector<16xf32>, vector<16xf32>, vector<16xf32>, vector<16xf32>)  : i32 {
        %mul3A_181 = arith.constant 2 : i32
        %mul3A_182 = arith.muli %mul3A_181, %scan3A_176 : i32
        %get3A = arith.constant 0 : i32
        %get3A_183 = arith.index_cast %get3A : i32 to index
        %get3A_184 = arith.index_cast %mul3A_182 : i32 to index
        %get3A_185 = arith.constant 0 : index
        %get3A_186 = tpu.vector_load %arg6[%get3A_183, %get3A_184, %get3A_185] {strides = array<i32>} : memref<2x200x64xf32, #tpu.memory_space<vmem>>, vector<1x1x16xf32>,
        %get3A_187 = vector.shape_cast %get3A_186 : vector<1x1x16xf32> to vector<16xf32>
        %add3A_188 = arith.addf %scan3A_177, %get3A_187 : vector<16xf32>
        %add3A_189 = arith.constant 1 : i32
        %add3A_190 = arith.addi %mul3A_182, %add3A_189 : i32
        %get3A_191 = arith.constant 0 : i32
        %get3A_192 = arith.index_cast %get3A_191 : i32 to index
        %get3A_193 = arith.index_cast %add3A_190 : i32 to index
        %get3A_194 = arith.constant 0 : index
        %get3A_195 = tpu.vector_load %arg6[%get3A_192, %get3A_193, %get3A_194] {strides = array<i32>} : memref<2x200x64xf32, #tpu.memory_space<vmem>>, vector<1x1x16xf32>,
        %get3A_196 = vector.shape_cast %get3A_195 : vector<1x1x16xf32> to vector<16xf32>
        %add3A_197 = arith.addf %add3A_188, %get3A_196 : vector<16xf32>
        %get3A_198 = arith.constant 0 : i32
        %get3A_199 = arith.index_cast %get3A_198 : i32 to index
        %get3A_200 = arith.index_cast %mul3A_182 : i32 to index
        %get3A_201 = arith.constant 16 : index
        %get3A_202 = tpu.vector_load %arg6[%get3A_199, %get3A_200, %get3A_201] {strides = array<i32>} : memref<2x200x64xf32, #tpu.memory_space<vmem>>, vector<1x1x16xf32>,
        %get3A_203 = vector.shape_cast %get3A_202 : vector<1x1x16xf32> to vector<16xf32>
        %add3A_204 = arith.addf %scan3A_178, %get3A_203 : vector<16xf32>
        %add3A_205 = arith.constant 1 : i32
        %add3A_206 = arith.addi %mul3A_182, %add3A_205 : i32
        %get3A_207 = arith.constant 0 : i32
        %get3A_208 = arith.index_cast %get3A_207 : i32 to index
        %get3A_209 = arith.index_cast %add3A_206 : i32 to index
        %get3A_210 = arith.constant 16 : index
        %get3A_211 = tpu.vector_load %arg6[%get3A_208, %get3A_209, %get3A_210] {strides = array<i32>} : memref<2x200x64xf32, #tpu.memory_space<vmem>>, vector<1x1x16xf32>,
        %get3A_212 = vector.shape_cast %get3A_211 : vector<1x1x16xf32> to vector<16xf32>
        %add3A_213 = arith.addf %add3A_204, %get3A_212 : vector<16xf32>
        %get3A_214 = arith.constant 0 : i32
        %get3A_215 = arith.index_cast %get3A_214 : i32 to index
        %get3A_216 = arith.index_cast %mul3A_182 : i32 to index
        %get3A_217 = arith.constant 32 : index
        %get3A_218 = tpu.vector_load %arg6[%get3A_215, %get3A_216, %get3A_217] {strides = array<i32>} : memref<2x200x64xf32, #tpu.memory_space<vmem>>, vector<1x1x16xf32>,
        %get3A_219 = vector.shape_cast %get3A_218 : vector<1x1x16xf32> to vector<16xf32>
        %add3A_220 = arith.addf %scan3A_179, %get3A_219 : vector<16xf32>
        %add3A_221 = arith.constant 1 : i32
        %add3A_222 = arith.addi %mul3A_182, %add3A_221 : i32
        %get3A_223 = arith.constant 0 : i32
        %get3A_224 = arith.index_cast %get3A_223 : i32 to index
        %get3A_225 = arith.index_cast %add3A_222 : i32 to index
        %get3A_226 = arith.constant 32 : index
        %get3A_227 = tpu.vector_load %arg6[%get3A_224, %get3A_225, %get3A_226] {strides = array<i32>} : memref<2x200x64xf32, #tpu.memory_space<vmem>>, vector<1x1x16xf32>,
        %get3A_228 = vector.shape_cast %get3A_227 : vector<1x1x16xf32> to vector<16xf32>
        %add3A_229 = arith.addf %add3A_220, %get3A_228 : vector<16xf32>
        %get3A_230 = arith.constant 0 : i32
        %get3A_231 = arith.index_cast %get3A_230 : i32 to index
        %get3A_232 = arith.index_cast %mul3A_182 : i32 to index
        %get3A_233 = arith.constant 48 : index
        %get3A_234 = tpu.vector_load %arg6[%get3A_231, %get3A_232, %get3A_233] {strides = array<i32>} : memref<2x200x64xf32, #tpu.memory_space<vmem>>, vector<1x1x16xf32>,
        %get3A_235 = vector.shape_cast %get3A_234 : vector<1x1x16xf32> to vector<16xf32>
        %add3A_236 = arith.addf %scan3A_180, %get3A_235 : vector<16xf32>
        %add3A_237 = arith.constant 1 : i32
        %add3A_238 = arith.addi %mul3A_182, %add3A_237 : i32
        %get3A_239 = arith.constant 0 : i32
        %get3A_240 = arith.index_cast %get3A_239 : i32 to index
        %get3A_241 = arith.index_cast %add3A_238 : i32 to index
        %get3A_242 = arith.constant 48 : index
        %get3A_243 = tpu.vector_load %arg6[%get3A_240, %get3A_241, %get3A_242] {strides = array<i32>} : memref<2x200x64xf32, #tpu.memory_space<vmem>>, vector<1x1x16xf32>,
        %get3A_244 = vector.shape_cast %get3A_243 : vector<1x1x16xf32> to vector<16xf32>
        %add3A_245 = arith.addf %add3A_236, %get3A_244 : vector<16xf32>
        scf.yield %add3A_197, %add3A_213, %add3A_229, %add3A_245 : vector<16xf32>, vector<16xf32>, vector<16xf32>, vector<16xf32>
      }
      %scan3A_93 = arith.constant 100 : i32
      %swap3A = arith.index_cast %mul3A_35 : i32 to index
      %swap3A_94 = arith.constant 0 : index
      %swap3A_95 = tpu.vector_load %arg7[%swap3A, %swap3A_94] {strides = array<i32>} : memref<128x64xf32, #tpu.memory_space<vmem>>, vector<1x16xf32>,
      %swap3A_96 = vector.shape_cast %swap3A_95 : vector<1x16xf32> to vector<16xf32>
      %swap3A_97 = vector.shape_cast %scan3A_92#0 : vector<16xf32> to vector<1x16xf32>
      tpu.vector_store %arg7[%swap3A, %swap3A_94], %swap3A_97 {strides = array<i32>} : memref<128x64xf32, #tpu.memory_space<vmem>>, vector<1x16xf32>,
      %swap3A_98 = arith.index_cast %mul3A_35 : i32 to index
      %swap3A_99 = arith.constant 16 : index
      %swap3A_100 = tpu.vector_load %arg7[%swap3A_98, %swap3A_99] {strides = array<i32>} : memref<128x64xf32, #tpu.memory_space<vmem>>, vector<1x16xf32>,
      %swap3A_101 = vector.shape_cast %swap3A_100 : vector<1x16xf32> to vector<16xf32>
      %swap3A_102 = vector.shape_cast %scan3A_92#1 : vector<16xf32> to vector<1x16xf32>
      tpu.vector_store %arg7[%swap3A_98, %swap3A_99], %swap3A_102 {strides = array<i32>} : memref<128x64xf32, #tpu.memory_space<vmem>>, vector<1x16xf32>,
      %swap3A_103 = arith.index_cast %mul3A_35 : i32 to index
      %swap3A_104 = arith.constant 32 : index
      %swap3A_105 = tpu.vector_load %arg7[%swap3A_103, %swap3A_104] {strides = array<i32>} : memref<128x64xf32, #tpu.memory_space<vmem>>, vector<1x16xf32>,
      %swap3A_106 = vector.shape_cast %swap3A_105 : vector<1x16xf32> to vector<16xf32>
      %swap3A_107 = vector.shape_cast %scan3A_92#2 : vector<16xf32> to vector<1x16xf32>
      tpu.vector_store %arg7[%swap3A_103, %swap3A_104], %swap3A_107 {strides = array<i32>} : memref<128x64xf32, #tpu.memory_space<vmem>>, vector<1x16xf32>,
      %swap3A_108 = arith.index_cast %mul3A_35 : i32 to index
      %swap3A_109 = arith.constant 48 : index
      %swap3A_110 = tpu.vector_load %arg7[%swap3A_108, %swap3A_109] {strides = array<i32>} : memref<128x64xf32, #tpu.memory_space<vmem>>, vector<1x16xf32>,
      %swap3A_111 = vector.shape_cast %swap3A_110 : vector<1x16xf32> to vector<16xf32>
      %swap3A_112 = vector.shape_cast %scan3A_92#3 : vector<16xf32> to vector<1x16xf32>
      tpu.vector_store %arg7[%swap3A_108, %swap3A_109], %swap3A_112 {strides = array<i32>} : memref<128x64xf32, #tpu.memory_space<vmem>>, vector<1x16xf32>,
      %lt3A = arith.constant 63 : i32
      %lt3A_113 = arith.cmpi slt, %scan3A_32, %lt3A : i32
      %convert_element_type3A = arith.extui %lt3A_113 : i1 to i32
      %cond3A = arith.constant 0 : i32
      %cond3A_114 = arith.cmpi ne, %convert_element_type3A, %cond3A : i32
      scf.if %cond3A_114 {
        %add3A_176 = arith.constant 2 : i32
        %add3A_177 = arith.addi %mul3A_35, %add3A_176 : i32
        %dma_start3A_178 = arith.constant 0 : i32
        %dma_start3A_179 = arith.constant 0 : i32
        %dma_start3A_180 = arith.constant 0 : i32
        %dma_start3A_181 = tpu.memref_slice %arg6[%dma_start3A_178, %dma_start3A_179, %dma_start3A_180] : memref<2x200x64xf32, #tpu.memory_space<vmem>> -> memref<1x128x64xf32, #tpu.memory_space<vmem>>
        %dma_start3A_182 = tpu.memref_squeeze %dma_start3A_181 : memref<1x128x64xf32, #tpu.memory_space<vmem>> -> memref<128x64xf32, #tpu.memory_space<vmem>>
        %dma_start3A_183 = arith.constant 0 : i32
        %dma_start3A_184 = tpu.memref_slice %arg5[%add3A_177, %dma_start3A_183] : memref<128x208xi32, #tpu.memory_space<vmem>> -> memref<1x128xi32, #tpu.memory_space<vmem>>
        %dma_start3A_185 = tpu.memref_squeeze %dma_start3A_184 : memref<1x128xi32, #tpu.memory_space<vmem>> -> memref<128xi32, #tpu.memory_space<vmem>>
        %dma_start3A_186 = arith.constant 0 : i32
        %dma_start3A_187 = arith.constant 0 : i32
        %dma_start3A_188 = tpu.memref_slice %arg3[%dma_start3A_186, %dma_start3A_187] : memref<1000000x64xf32, #tpu.memory_space<hbm>> -> memref<1000000x64xf32, #tpu.memory_space<hbm>>
        tpu.enqueue_indirect_dma source(%dma_start3A_188 : memref<1000000x64xf32, #tpu.memory_space<hbm>>) target(%dma_start3A_182 : memref<128x64xf32, #tpu.memory_space<vmem>>) offsets(%dma_start3A_185 : memref<128xi32, #tpu.memory_space<vmem>>) semaphore(%arg8 : memref<!tpu.dma_semaphore, #tpu.memory_space<semaphore_mem>>)
        %dma_start3A_189 = arith.constant 0 : i32
        %dma_start3A_190 = arith.constant 128 : i32
        %dma_start3A_191 = arith.constant 0 : i32
        %dma_start3A_192 = tpu.memref_slice %arg6[%dma_start3A_189, %dma_start3A_190, %dma_start3A_191] : memref<2x200x64xf32, #tpu.memory_space<vmem>> -> memref<1x72x64xf32, #tpu.memory_space<vmem>>
        %dma_start3A_193 = tpu.memref_squeeze %dma_start3A_192 : memref<1x72x64xf32, #tpu.memory_space<vmem>> -> memref<72x64xf32, #tpu.memory_space<vmem>>
        %dma_start3A_194 = arith.constant 128 : i32
        %dma_start3A_195 = tpu.memref_slice %arg5[%add3A_177, %dma_start3A_194] : memref<128x208xi32, #tpu.memory_space<vmem>> -> memref<1x72xi32, #tpu.memory_space<vmem>>
        %dma_start3A_196 = tpu.memref_squeeze %dma_start3A_195 : memref<1x72xi32, #tpu.memory_space<vmem>> -> memref<72xi32, #tpu.memory_space<vmem>>
        %dma_start3A_197 = arith.constant 0 : i32
        %dma_start3A_198 = arith.constant 0 : i32
        %dma_start3A_199 = tpu.memref_slice %arg3[%dma_start3A_197, %dma_start3A_198] : memref<1000000x64xf32, #tpu.memory_space<hbm>> -> memref<1000000x64xf32, #tpu.memory_space<hbm>>
        tpu.enqueue_indirect_dma source(%dma_start3A_199 : memref<1000000x64xf32, #tpu.memory_space<hbm>>) target(%dma_start3A_193 : memref<72x64xf32, #tpu.memory_space<vmem>>) offsets(%dma_start3A_196 : memref<72xi32, #tpu.memory_space<vmem>>) semaphore(%arg8 : memref<!tpu.dma_semaphore, #tpu.memory_space<semaphore_mem>>)
      } else {
      }
      %add3A_115 = arith.constant 1 : i32
      %add3A_116 = arith.addi %mul3A_35, %add3A_115 : i32
      %dma_wait3A_117 = arith.constant 1 : i32
      %dma_wait3A_118 = arith.constant 0 : i32
      %dma_wait3A_119 = arith.constant 0 : i32
      %dma_wait3A_120 = tpu.memref_slice %arg6[%dma_wait3A_117, %dma_wait3A_118, %dma_wait3A_119] : memref<2x200x64xf32, #tpu.memory_space<vmem>> -> memref<1x128x64xf32, #tpu.memory_space<vmem>>
      %dma_wait3A_121 = tpu.memref_squeeze %dma_wait3A_120 : memref<1x128x64xf32, #tpu.memory_space<vmem>> -> memref<128x64xf32, #tpu.memory_space<vmem>>
      %dma_wait3A_122 = arith.constant 0 : i32
      %dma_wait3A_123 = tpu.memref_slice %arg5[%add3A_116, %dma_wait3A_122] : memref<128x208xi32, #tpu.memory_space<vmem>> -> memref<1x128xi32, #tpu.memory_space<vmem>>
      %dma_wait3A_124 = tpu.memref_squeeze %dma_wait3A_123 : memref<1x128xi32, #tpu.memory_space<vmem>> -> memref<128xi32, #tpu.memory_space<vmem>>
      %dma_wait3A_125 = arith.constant 0 : i32
      %dma_wait3A_126 = arith.constant 0 : i32
      %dma_wait3A_127 = tpu.memref_slice %arg3[%dma_wait3A_125, %dma_wait3A_126] : memref<1000000x64xf32, #tpu.memory_space<hbm>> -> memref<1000000x64xf32, #tpu.memory_space<hbm>>
      tpu.wait_indirect_dma semaphore(%arg9 : memref<!tpu.dma_semaphore, #tpu.memory_space<semaphore_mem>>) src(%dma_wait3A_127 : memref<1000000x64xf32, #tpu.memory_space<hbm>>) dst(%dma_wait3A_121 : memref<128x64xf32, #tpu.memory_space<vmem>>)
      %dma_wait3A_128 = arith.constant 1 : i32
      %dma_wait3A_129 = arith.constant 128 : i32
      %dma_wait3A_130 = arith.constant 0 : i32
      %dma_wait3A_131 = tpu.memref_slice %arg6[%dma_wait3A_128, %dma_wait3A_129, %dma_wait3A_130] : memref<2x200x64xf32, #tpu.memory_space<vmem>> -> memref<1x72x64xf32, #tpu.memory_space<vmem>>
      %dma_wait3A_132 = tpu.memref_squeeze %dma_wait3A_131 : memref<1x72x64xf32, #tpu.memory_space<vmem>> -> memref<72x64xf32, #tpu.memory_space<vmem>>
      %dma_wait3A_133 = arith.constant 128 : i32
      %dma_wait3A_134 = tpu.memref_slice %arg5[%add3A_116, %dma_wait3A_133] : memref<128x208xi32, #tpu.memory_space<vmem>> -> memref<1x72xi32, #tpu.memory_space<vmem>>
      %dma_wait3A_135 = tpu.memref_squeeze %dma_wait3A_134 : memref<1x72xi32, #tpu.memory_space<vmem>> -> memref<72xi32, #tpu.memory_space<vmem>>
      %dma_wait3A_136 = arith.constant 0 : i32
      %dma_wait3A_137 = arith.constant 0 : i32
      %dma_wait3A_138 = tpu.memref_slice %arg3[%dma_wait3A_136, %dma_wait3A_137] : memref<1000000x64xf32, #tpu.memory_space<hbm>> -> memref<1000000x64xf32, #tpu.memory_space<hbm>>
      tpu.wait_indirect_dma semaphore(%arg9 : memref<!tpu.dma_semaphore, #tpu.memory_space<semaphore_mem>>) src(%dma_wait3A_138 : memref<1000000x64xf32, #tpu.memory_space<hbm>>) dst(%dma_wait3A_132 : memref<72x64xf32, #tpu.memory_space<vmem>>)
      %add3A_139 = arith.constant 1 : i32
      %add3A_140 = arith.addi %mul3A_35, %add3A_139 : i32
      %broadcast_in_dim3A_141 = arith.constant 0.000000e+00 : f32
      %broadcast_in_dim3A_142 = vector.broadcast %broadcast_in_dim3A_141 : f32 to vector<16xf32>
      %broadcast_in_dim3A_143 = arith.constant 0.000000e+00 : f32
      %broadcast_in_dim3A_144 = vector.broadcast %broadcast_in_dim3A_143 : f32 to vector<16xf32>
      %broadcast_in_dim3A_145 = arith.constant 0.000000e+00 : f32
      %broadcast_in_dim3A_146 = vector.broadcast %broadcast_in_dim3A_145 : f32 to vector<16xf32>
      %broadcast_in_dim3A_147 = arith.constant 0.000000e+00 : f32
      %broadcast_in_dim3A_148 = vector.broadcast %broadcast_in_dim3A_147 : f32 to vector<16xf32>
      %scan3A_149 = arith.constant 0 : i32
      %scan3A_150 = arith.constant 100 : i32
      %scan3A_151 = arith.addi %scan3A_149, %scan3A_150 : i32
      %scan3A_152 = arith.constant 1 : i32
      %scan3A_153:4 = scf.for %scan3A_176 = %scan3A_149 to %scan3A_151 step %scan3A_152 iter_args(%scan3A_177 = %broadcast_in_dim3A_142, %scan3A_178 = %broadcast_in_dim3A_144, %scan3A_179 = %broadcast_in_dim3A_146, %scan3A_180 = %broadcast_in_dim3A_148) -> (vector<16xf32>, vector<16xf32>, vector<16xf32>, vector<16xf32>)  : i32 {
        %mul3A_181 = arith.constant 2 : i32
        %mul3A_182 = arith.muli %mul3A_181, %scan3A_176 : i32
        %get3A = arith.constant 1 : i32
        %get3A_183 = arith.index_cast %get3A : i32 to index
        %get3A_184 = arith.index_cast %mul3A_182 : i32 to index
        %get3A_185 = arith.constant 0 : index
        %get3A_186 = tpu.vector_load %arg6[%get3A_183, %get3A_184, %get3A_185] {strides = array<i32>} : memref<2x200x64xf32, #tpu.memory_space<vmem>>, vector<1x1x16xf32>,
        %get3A_187 = vector.shape_cast %get3A_186 : vector<1x1x16xf32> to vector<16xf32>
        %add3A_188 = arith.addf %scan3A_177, %get3A_187 : vector<16xf32>
        %add3A_189 = arith.constant 1 : i32
        %add3A_190 = arith.addi %mul3A_182, %add3A_189 : i32
        %get3A_191 = arith.constant 1 : i32
        %get3A_192 = arith.index_cast %get3A_191 : i32 to index
        %get3A_193 = arith.index_cast %add3A_190 : i32 to index
        %get3A_194 = arith.constant 0 : index
        %get3A_195 = tpu.vector_load %arg6[%get3A_192, %get3A_193, %get3A_194] {strides = array<i32>} : memref<2x200x64xf32, #tpu.memory_space<vmem>>, vector<1x1x16xf32>,
        %get3A_196 = vector.shape_cast %get3A_195 : vector<1x1x16xf32> to vector<16xf32>
        %add3A_197 = arith.addf %add3A_188, %get3A_196 : vector<16xf32>
        %get3A_198 = arith.constant 1 : i32
        %get3A_199 = arith.index_cast %get3A_198 : i32 to index
        %get3A_200 = arith.index_cast %mul3A_182 : i32 to index
        %get3A_201 = arith.constant 16 : index
        %get3A_202 = tpu.vector_load %arg6[%get3A_199, %get3A_200, %get3A_201] {strides = array<i32>} : memref<2x200x64xf32, #tpu.memory_space<vmem>>, vector<1x1x16xf32>,
        %get3A_203 = vector.shape_cast %get3A_202 : vector<1x1x16xf32> to vector<16xf32>
        %add3A_204 = arith.addf %scan3A_178, %get3A_203 : vector<16xf32>
        %add3A_205 = arith.constant 1 : i32
        %add3A_206 = arith.addi %mul3A_182, %add3A_205 : i32
        %get3A_207 = arith.constant 1 : i32
        %get3A_208 = arith.index_cast %get3A_207 : i32 to index
        %get3A_209 = arith.index_cast %add3A_206 : i32 to index
        %get3A_210 = arith.constant 16 : index
        %get3A_211 = tpu.vector_load %arg6[%get3A_208, %get3A_209, %get3A_210] {strides = array<i32>} : memref<2x200x64xf32, #tpu.memory_space<vmem>>, vector<1x1x16xf32>,
        %get3A_212 = vector.shape_cast %get3A_211 : vector<1x1x16xf32> to vector<16xf32>
        %add3A_213 = arith.addf %add3A_204, %get3A_212 : vector<16xf32>
        %get3A_214 = arith.constant 1 : i32
        %get3A_215 = arith.index_cast %get3A_214 : i32 to index
        %get3A_216 = arith.index_cast %mul3A_182 : i32 to index
        %get3A_217 = arith.constant 32 : index
        %get3A_218 = tpu.vector_load %arg6[%get3A_215, %get3A_216, %get3A_217] {strides = array<i32>} : memref<2x200x64xf32, #tpu.memory_space<vmem>>, vector<1x1x16xf32>,
        %get3A_219 = vector.shape_cast %get3A_218 : vector<1x1x16xf32> to vector<16xf32>
        %add3A_220 = arith.addf %scan3A_179, %get3A_219 : vector<16xf32>
        %add3A_221 = arith.constant 1 : i32
        %add3A_222 = arith.addi %mul3A_182, %add3A_221 : i32
        %get3A_223 = arith.constant 1 : i32
        %get3A_224 = arith.index_cast %get3A_223 : i32 to index
        %get3A_225 = arith.index_cast %add3A_222 : i32 to index
        %get3A_226 = arith.constant 32 : index
        %get3A_227 = tpu.vector_load %arg6[%get3A_224, %get3A_225, %get3A_226] {strides = array<i32>} : memref<2x200x64xf32, #tpu.memory_space<vmem>>, vector<1x1x16xf32>,
        %get3A_228 = vector.shape_cast %get3A_227 : vector<1x1x16xf32> to vector<16xf32>
        %add3A_229 = arith.addf %add3A_220, %get3A_228 : vector<16xf32>
        %get3A_230 = arith.constant 1 : i32
        %get3A_231 = arith.index_cast %get3A_230 : i32 to index
        %get3A_232 = arith.index_cast %mul3A_182 : i32 to index
        %get3A_233 = arith.constant 48 : index
        %get3A_234 = tpu.vector_load %arg6[%get3A_231, %get3A_232, %get3A_233] {strides = array<i32>} : memref<2x200x64xf32, #tpu.memory_space<vmem>>, vector<1x1x16xf32>,
        %get3A_235 = vector.shape_cast %get3A_234 : vector<1x1x16xf32> to vector<16xf32>
        %add3A_236 = arith.addf %scan3A_180, %get3A_235 : vector<16xf32>
        %add3A_237 = arith.constant 1 : i32
        %add3A_238 = arith.addi %mul3A_182, %add3A_237 : i32
        %get3A_239 = arith.constant 1 : i32
        %get3A_240 = arith.index_cast %get3A_239 : i32 to index
        %get3A_241 = arith.index_cast %add3A_238 : i32 to index
        %get3A_242 = arith.constant 48 : index
        %get3A_243 = tpu.vector_load %arg6[%get3A_240, %get3A_241, %get3A_242] {strides = array<i32>} : memref<2x200x64xf32, #tpu.memory_space<vmem>>, vector<1x1x16xf32>,
        %get3A_244 = vector.shape_cast %get3A_243 : vector<1x1x16xf32> to vector<16xf32>
        %add3A_245 = arith.addf %add3A_236, %get3A_244 : vector<16xf32>
        scf.yield %add3A_197, %add3A_213, %add3A_229, %add3A_245 : vector<16xf32>, vector<16xf32>, vector<16xf32>, vector<16xf32>
      }
      %scan3A_154 = arith.constant 100 : i32
      %swap3A_155 = arith.index_cast %add3A_140 : i32 to index
      %swap3A_156 = arith.constant 0 : index
      %swap3A_157 = tpu.vector_load %arg7[%swap3A_155, %swap3A_156] {strides = array<i32>} : memref<128x64xf32, #tpu.memory_space<vmem>>, vector<1x16xf32>,
      %swap3A_158 = vector.shape_cast %swap3A_157 : vector<1x16xf32> to vector<16xf32>
      %swap3A_159 = vector.shape_cast %scan3A_153#0 : vector<16xf32> to vector<1x16xf32>
      tpu.vector_store %arg7[%swap3A_155, %swap3A_156], %swap3A_159 {strides = array<i32>} : memref<128x64xf32, #tpu.memory_space<vmem>>, vector<1x16xf32>,
      %swap3A_160 = arith.index_cast %add3A_140 : i32 to index
      %swap3A_161 = arith.constant 16 : index
      %swap3A_162 = tpu.vector_load %arg7[%swap3A_160, %swap3A_161] {strides = array<i32>} : memref<128x64xf32, #tpu.memory_space<vmem>>, vector<1x16xf32>,
      %swap3A_163 = vector.shape_cast %swap3A_162 : vector<1x16xf32> to vector<16xf32>
      %swap3A_164 = vector.shape_cast %scan3A_153#1 : vector<16xf32> to vector<1x16xf32>
      tpu.vector_store %arg7[%swap3A_160, %swap3A_161], %swap3A_164 {strides = array<i32>} : memref<128x64xf32, #tpu.memory_space<vmem>>, vector<1x16xf32>,
      %swap3A_165 = arith.index_cast %add3A_140 : i32 to index
      %swap3A_166 = arith.constant 32 : index
      %swap3A_167 = tpu.vector_load %arg7[%swap3A_165, %swap3A_166] {strides = array<i32>} : memref<128x64xf32, #tpu.memory_space<vmem>>, vector<1x16xf32>,
      %swap3A_168 = vector.shape_cast %swap3A_167 : vector<1x16xf32> to vector<16xf32>
      %swap3A_169 = vector.shape_cast %scan3A_153#2 : vector<16xf32> to vector<1x16xf32>
      tpu.vector_store %arg7[%swap3A_165, %swap3A_166], %swap3A_169 {strides = array<i32>} : memref<128x64xf32, #tpu.memory_space<vmem>>, vector<1x16xf32>,
      %swap3A_170 = arith.index_cast %add3A_140 : i32 to index
      %swap3A_171 = arith.constant 48 : index
      %swap3A_172 = tpu.vector_load %arg7[%swap3A_170, %swap3A_171] {strides = array<i32>} : memref<128x64xf32, #tpu.memory_space<vmem>>, vector<1x16xf32>,
      %swap3A_173 = vector.shape_cast %swap3A_172 : vector<1x16xf32> to vector<16xf32>
      %swap3A_174 = vector.shape_cast %scan3A_153#3 : vector<16xf32> to vector<1x16xf32>
      tpu.vector_store %arg7[%swap3A_170, %swap3A_171], %swap3A_174 {strides = array<i32>} : memref<128x64xf32, #tpu.memory_space<vmem>>, vector<1x16xf32>,
      %scan3A_175 = arith.constant 0 : i32
      scf.yield %scan3A_175 : i32
    }
    %scan3A_31 = arith.constant 64 : i32
    "tpu.region"() ({
      %run_scoped3A = tpu.sem_alloc : memref<!tpu.dma_semaphore, #tpu.memory_space<semaphore_mem>>
      %dma_start3A_32 = arith.constant 0 : i32
      %dma_start3A_33 = tpu.memref_slice %arg4[%mul3A_2, %dma_start3A_32] : memref<4096x64xf32, #tpu.memory_space<hbm>> -> memref<128x64xf32, #tpu.memory_space<hbm>>
      %dma_start3A_34 = arith.constant 0 : i32
      %dma_start3A_35 = tpu.memref_slice %arg4[%mul3A_2, %dma_start3A_34] : memref<4096x64xf32, #tpu.memory_space<hbm>> -> memref<128x64xf32, #tpu.memory_space<hbm>>
      tpu.enqueue_dma source(%arg7 : memref<128x64xf32, #tpu.memory_space<vmem>>) target(%dma_start3A_35 : memref<128x64xf32, #tpu.memory_space<hbm>>) target_semaphore(%run_scoped3A : memref<!tpu.dma_semaphore, #tpu.memory_space<semaphore_mem>>)
      %dma_wait3A = arith.constant 0 : i32
      %dma_wait3A_36 = tpu.memref_slice %arg4[%mul3A_2, %dma_wait3A] : memref<4096x64xf32, #tpu.memory_space<hbm>> -> memref<128x64xf32, #tpu.memory_space<hbm>>
      %dma_wait3A_37 = arith.constant 0 : i32
      %dma_wait3A_38 = tpu.memref_slice %arg4[%mul3A_2, %dma_wait3A_37] : memref<4096x64xf32, #tpu.memory_space<hbm>> -> memref<128x64xf32, #tpu.memory_space<hbm>>
      tpu.wait_dma2 semaphore(%run_scoped3A : memref<!tpu.dma_semaphore, #tpu.memory_space<semaphore_mem>>) src(%arg7 : memref<128x64xf32, #tpu.memory_space<vmem>>) dst(%dma_wait3A_38 : memref<128x64xf32, #tpu.memory_space<hbm>>)
      tpu.yield
    }) : () -> ()
    return
  }
}

module attributes {stable_mosaic.version = 14 : i64} {
  func.func @tc_kernel(%arg0: memref<4096x64xf32, #tpu.memory_space<vmem>>, %arg1: memref<4096x200xi32, #tpu.memory_space<vmem>>, %arg2: memref<1x64xf32, #tpu.memory_space<vmem>>, %arg3: memref<5x64xf32, #tpu.memory_space<vmem>>, %arg4: memref<1x5xf32, #tpu.memory_space<vmem>>, %arg5: memref<4096x5xf32, #tpu.memory_space<vmem>>) attributes {dimension_semantics = [], scalar_prefetch = 0 : i64, scratch_operands = 0 : i64, tpu.core_type = #tpu.core_type<tc>} {
    %get3A = arith.constant 0 : index
    %get3A_0 = arith.constant 0 : index
    %get3A_1 = vector.load %arg1[%get3A, %get3A_0] : memref<4096x200xi32, #tpu.memory_space<vmem>>, vector<4096x200xi32>
    %eq3A = arith.constant 0 : i32
    %eq3A_2 = vector.broadcast %eq3A : i32 to vector<4096x200xi32>
    %eq3A_3 = arith.cmpi eq, %get3A_1, %eq3A_2 : vector<4096x200xi32>
    %convert_element_type3A = arith.extui %eq3A_3 : vector<4096x200xi1> to vector<4096x200xi32>
    %convert_element_type3A_4 = arith.sitofp %convert_element_type3A : vector<4096x200xi32> to vector<4096x200xf32>
    %reduce_sum3A = arith.constant dense<0.000000e+00> : vector<4096xf32>
    %reduce_sum3A_5 = vector.multi_reduction <add>, %convert_element_type3A_4, %reduce_sum3A [1] : vector<4096x200xf32> to vector<4096xf32>
    %broadcast_in_dim3A = vector.shape_cast %reduce_sum3A_5 : vector<4096xf32> to vector<4096x1xf32>
    %get3A_6 = arith.constant 0 : index
    %get3A_7 = arith.constant 0 : index
    %get3A_8 = vector.load %arg0[%get3A_6, %get3A_7] : memref<4096x64xf32, #tpu.memory_space<vmem>>, vector<4096x64xf32>
    %get3A_9 = arith.constant 0 : index
    %get3A_10 = arith.constant 0 : index
    %get3A_11 = vector.load %arg2[%get3A_9, %get3A_10] : memref<1x64xf32, #tpu.memory_space<vmem>>, vector<1x64xf32>
    %mul3A = vector.broadcast %broadcast_in_dim3A : vector<4096x1xf32> to vector<4096x64xf32>
    %mul3A_12 = vector.broadcast %get3A_11 : vector<1x64xf32> to vector<4096x64xf32>
    %mul3A_13 = arith.mulf %mul3A, %mul3A_12 : vector<4096x64xf32>
    %sub3A = arith.subf %get3A_8, %mul3A_13 : vector<4096x64xf32>
    %mul3A_14 = arith.constant 5.000000e-03 : f32
    %mul3A_15 = vector.broadcast %mul3A_14 : f32 to vector<4096x64xf32>
    %mul3A_16 = arith.mulf %sub3A, %mul3A_15 : vector<4096x64xf32>
    %get3A_17 = arith.constant 0 : index
    %get3A_18 = arith.constant 0 : index
    %get3A_19 = vector.load %arg3[%get3A_17, %get3A_18] : memref<5x64xf32, #tpu.memory_space<vmem>>, vector<5x64xf32>
    %transpose3A = tpu.transpose %get3A_19, [1, 0] : vector<5x64xf32> -> vector<64x5xf32>
    %dot_general3A = arith.constant dense<0.000000e+00> : vector<4096x5xf32>
    %dot_general3A_20 = tpu.matmul %mul3A_16, %transpose3A, %dot_general3A {dimension_numbers = #tpu.dot_dimension_numbers<[1], [0], [0], [1], [0, 0, 1, 1], [], []>, transpose_lhs_hint = false} : vector<4096x64xf32>, vector<64x5xf32>, vector<4096x5xf32> -> vector<4096x5xf32>
    %get3A_21 = arith.constant 0 : index
    %get3A_22 = arith.constant 0 : index
    %get3A_23 = vector.load %arg4[%get3A_21, %get3A_22] : memref<1x5xf32, #tpu.memory_space<vmem>>, vector<1x5xf32>
    %add3A = vector.broadcast %get3A_23 : vector<1x5xf32> to vector<4096x5xf32>
    %add3A_24 = arith.addf %dot_general3A_20, %add3A : vector<4096x5xf32>
    %swap3A = arith.constant 0 : index
    %swap3A_25 = arith.constant 0 : index
    %swap3A_26 = vector.load %arg5[%swap3A, %swap3A_25] : memref<4096x5xf32, #tpu.memory_space<vmem>>, vector<4096x5xf32>
    tpu.vector_store %arg5[%swap3A, %swap3A_25], %add3A_24 {strides = array<i32>} : memref<4096x5xf32, #tpu.memory_space<vmem>>, vector<4096x5xf32>,
    return
  }
}

</mosaic_0001>

<sc_bundles>
// kernel: kernel.4.cloned.1.call-start
scs
__scs_entry_jumppad:
0x0: {  	(pc) =	sbr.rel $0x88, $3  }
0x1: {  	(tag) =	ssettag $0x0;
	lr =	simm.s32 $0x1  }
0x2: {  	[smem:$0x3F9D] =	sst lr;
	_ =	strace $0xD0000000  }
0x3: {  	_ = 	snop  }
0x4: {  	_ = 	snop  }
0x5: {  	_ = 	snop  }
0x6: {  	_ = 	snop  }
0x7: {  	_ = 	snop  }
__scs_overlays_trampoline_lowered:
0x8: {  	[smem:$0x3FAC] =	sst s0  }
0x9: {  	[smem:$0x3FAD] =	sst s1  }
0xa: {  	[smem:$0x3FAE] =	sst s2  }
0xb: {  	[smem:$0x3FAF] =	sst s3  }
0xc: {  	[smem:$0x3FB0] =	sst s4  }
0xd: {  	[smem:$0x3FB1] =	sst s5  }
0xe: {  	[smem:$0x3FB2] =	sst s6  }
0xf: {  	[smem:$0x3FB3] =	sst s7  }
0x10: {  	[smem:$0x3FB4] =	sst s8  }
0x11: {  	[smem:$0x3FB5] =	sst s9;
	s0 =	simm.s32 @!p0 $0x0  }
0x12: {  	s1 =	sld [smem:$0x3F9B];
	s0 =	simm.s32 @p0 $0x1  }
0x13: {  	[smem:$0x3FB6] =	sst s0;
	s0 =	simm.s32 @!p1 $0x0  }
0x14: {  	s2 =	sld [smem:$0x3F9A];
	s0 =	simm.s32 @p1 $0x1  }
0x15: {  	[smem:$0x3FB7] =	sst s0;
	s0 =	simm.s32 @!p2 $0x0  }
0x16: {  	s3 =	sld [smem:$0x3FDB];
	s0 =	simm.s32 @p2 $0x1  }
0x17: {  	s4 =	simm.s32 $0x1BF5;
	[smem:$0x3FB9] =	sst s0  }
0x18: {  	s0 =	sld [smem:$0x3F9C];
	_ =	swait.ge [sflag:s4], $0x0  }
0x19: {  	s7 =	sld [smem:$0x3F9D]  }
0x1a: {  	s8 =	sadd.s32 $0xFFFFE003, lr  }
0x1b: {  	s9 =	sadd.s32 $0xFFFFFEF7, lr;
	s5 =	simm.s32 $0xFFFFFFFF;
	p2 =	slt.u32 s8, $0xFFFFF086  }
0x1c: {  	p1 =	slt.u32 s9, $0xF7A;
	s5 =	simm.s32 @!p2 $0x0  }
0x1d: {  	s5 =	simm.s32 @p1 $0x1;
	p0 =	seq.s32 s7, s2  }
0x1e: {  	s7 =	smul.u32 @!p0 $0xF7A, s2;
	p2 =	seq.s32 @!p0 s5, $0x0  }
0x1f: {  	s9 =	smul.u32 $0xF7A, s1;
	s8 =	simm.s32 @!p0 $0x1BF5;
	p2 =	por !p2, p0  }
0x20: {  	[sflag:s8] =	ssyncset.s32 @!p0 $0xFFFFF086;
	s6 =	sadd.s32 @!p0 s3, s7;
	s7 =	simm.s32 @!p0 $0x108  }
0x21: {  	s3 =	sadd.s32 s3, s9;
	s6 =	sadd.s32 @!p0 $0x88, s6;
	s7 =	simm.s32 @p2 $0x1082  }
0x22: {  	[simem:s7], [sflag:s8] =	dma.local @!p0 [hbm:s6], $0xF7A  }
0x23: {  	s9 =	sor.u32 $0xD0000000, s2;
	s6 =	simm.s32 $0x108;
	_ =	swait.ge @!p0 [sflag:s8], $0x0  }
0x24: {  	s3 =	sadd.s32 $0x88, s3;
	s6 =	simm.s32 @!p1 $0x1082;
	[sflag:s4] =	ssyncset.s32 $0xFFFFF086  }
0x25: {  	[simem:s6], [sflag:s4] =	dma.local [hbm:s3], $0xF7A  }
0x26: {  	[smem:$0x3F9D] =	sst s1;
	(tag) =	ssettag s2;
	_ =	strace s9  }
0x27: {  	s1 =	sld [smem:$0x3FAD]  }
0x28: {  	s2 =	sld [smem:$0x3FAE]  }
0x29: {  	s4 =	sld [smem:$0x3FB0]  }
0x2a: {  	p0 =	seq.s32 s5, $0x0;
	s5 =	sld [smem:$0x3FB1]  }
0x2b: {  	s6 =	sld [smem:$0x3FB2]  }
0x2c: {  	s7 =	sld [smem:$0x3FB3]  }
0x2d: {  	s3 =	simm.s32 $0x108;
	s8 =	sld [smem:$0x3FB4]  }
0x2e: {  	s3 =	simm.s32 @!p0 $0x1082;
	s9 =	sld [smem:$0x3FB5]  }
0x2f: {  	lr =	sadd.s32 s0, s3;
	s0 =	sld [smem:$0x3FAC]  }
0x30: {  	s3 =	sld [smem:$0x3FAF]  }
0x31: {  	[smem:$0x3FB8] =	sst s10  }
0x32: {  	s10 =	sld [smem:$0x3FB6];
	_ =	sdelay $0x3  }
0x33: {  	p0 =	seq.s32 s10, $0x1;
	s10 =	sld [smem:$0x3FB8];
	_ =	sdelay $0x3  }
0x34: {  	[smem:$0x3FB8] =	sst s10  }
0x35: {  	s10 =	sld [smem:$0x3FB7];
	_ =	sdelay $0x3  }
0x36: {  	p1 =	seq.s32 s10, $0x1;
	s10 =	sld [smem:$0x3FB8];
	_ =	sdelay $0x3  }
0x37: {  	[smem:$0x3FB8] =	sst s10  }
0x38: {  	s10 =	sld [smem:$0x3FB9]  }
0x39: {  	_ = 	snop;
	(pc) =	sbr.ind lr, $3  }
0x3a: {  	_ = 	snop  }
0x3b: {  	_ = 	snop  }
0x3c: {  	p2 =	seq.s32 s10, $0x1;
	s10 =	sld [smem:$0x3FB8]  }
0x3d: {  	_ =	shalt  }
0x3e: {  	_ =	shalt  }
0x3f: {  	_ =	shalt  }
0x40: {  	_ =	shalt  }
0x41: {  	_ =	shalt  }
0x42: {  	_ =	shalt  }
0x43: {  	_ =	shalt  }
0x44: {  	_ =	shalt  }
0x45: {  	_ =	shalt  }
0x46: {  	_ =	shalt  }
0x47: {  	_ =	shalt  }
0x48: {  	_ =	shalt  }
0x49: {  	_ =	shalt  }
0x4a: {  	_ =	shalt  }
0x4b: {  	_ =	shalt  }
0x4c: {  	_ =	shalt  }
0x4d: {  	_ =	shalt  }
0x4e: {  	_ =	shalt  }
0x4f: {  	_ =	shalt  }
0x50: {  	_ =	shalt  }
0x51: {  	_ =	shalt  }
0x52: {  	_ =	shalt  }
0x53: {  	_ =	shalt  }
0x54: {  	_ =	shalt  }
0x55: {  	_ =	shalt  }
0x56: {  	_ =	shalt  }
0x57: {  	_ =	shalt  }
0x58: {  	_ =	shalt  }
0x59: {  	_ =	shalt  }
0x5a: {  	_ =	shalt  }
0x5b: {  	_ =	shalt  }
0x5c: {  	_ =	shalt  }
0x5d: {  	_ =	shalt  }
0x5e: {  	_ =	shalt  }
0x5f: {  	_ =	shalt  }
0x60: {  	_ =	shalt  }
0x61: {  	_ =	shalt  }
0x62: {  	_ =	shalt  }
0x63: {  	_ =	shalt  }
0x64: {  	_ =	shalt  }
0x65: {  	_ =	shalt  }
0x66: {  	_ =	shalt  }
0x67: {  	_ =	shalt  }
0x68: {  	_ =	shalt  }
0x69: {  	_ =	shalt  }
0x6a: {  	_ =	shalt  }
0x6b: {  	_ =	shalt  }
0x6c: {  	_ =	shalt  }
0x6d: {  	_ =	shalt  }
0x6e: {  	_ =	shalt  }
0x6f: {  	_ =	shalt  }
0x70: {  	_ =	shalt  }
0x71: {  	_ =	shalt  }
0x72: {  	_ =	shalt  }
0x73: {  	_ =	shalt  }
0x74: {  	_ =	shalt  }
0x75: {  	_ =	shalt  }
0x76: {  	_ =	shalt  }
0x77: {  	_ =	shalt  }
0x78: {  	_ =	shalt  }
0x79: {  	_ =	shalt  }
0x7a: {  	_ =	shalt  }
0x7b: {  	_ =	shalt  }
0x7c: {  	_ =	shalt  }
0x7d: {  	_ =	shalt  }
0x7e: {  	_ =	shalt  }
0x7f: {  	_ =	shalt  }
0x80: {  	_ =	shalt  }
0x81: {  	_ =	shalt  }
0x82: {  	_ =	shalt  }
0x83: {  	_ =	shalt  }
0x84: {  	_ =	shalt  }
0x85: {  	_ =	shalt  }
0x86: {  	_ =	shalt  }
0x87: {  	_ =	shalt  }
.Lfunc_end0:
.L_simem_size_0:
called_computation_lowered:
.L_overlay_start_0:
0x88: {  	s2 =	sld [smem:$0x3FD9]  }
0x89: {  	s3 =	sld [smem:$0x3FFE];
	_ =	sdelay $0x1  }
0x8a: {  	s1 =	srdreg.scid  }
0x8b: {  	s0 =	sand.u32 $0x1, s1  }
0x8c: {  	s16 =	sshll.u32 s0, $0xA;
	s2 =	sadd.s32 s3, s2  }
0x8d: {  	s2 =	sadd.s32 s2, s16  }
0x8e: {  	[smem:$0x3FC4] =	sst s2  }
0x8f: {  	_ = 	snop  }
0x90: {  	(tm) =	ssettm $0x1  }
0x91: {  	s17 =	sld [smem:$0x3FFB];
	_ =	sdelay $0x3  }
0x92: {  	_ =	strace s17  }
0x93: {  	s2 =	sld [smem:$0x3FFC];
	_ =	sdelay $0x3  }
0x94: {  	_ =	strace s2  }
0x95: {  	s2 =	sld [smem:$0x3FFD];
	_ =	sdelay $0x3  }
0x96: {  	_ =	strace s2  }
0x97: {  	_ =	strace $0x8FFFFFFF  }
0x98: {  	s18 =	sld [smem:$0x3FDB];
	_ =	sdelay $0x1  }
0x99: {  	s19 =	simm.s32 $_scs_section_size  }
0x9a: {  	s4 =	simm.s32 $_size__tile_overlayer_lowered;
	s5 =	simm.s32 $_tile_overlayer_lowered  }
0x9b: {  	s22 =	simm.s32 $0x1BFF;
	s21 =	sshll.u32 s5, $0x1;
	s2 =	sadd.s32 s19, s18  }
0x9c: {  	s6 =	simm.s32 $0x0;
	s20 =	sshll.u32 s4, $0x1;
	s4 =	sadd.s32 s21, s2  }
0x9d: {  	[timem:s6], [sflag:s22] =	dma.local [hbm:s4], s20  }
0x9e: {  	_ =	swait.ge [sflag:s22], s20  }
0x9f: {  	s3 =	ssub.s32 $0x0, s20;
	[sflag:s22] =	ssyncset.done $0x0  }
0xa0: {  	[sflag:s22] =	ssyncadd.s32 s3;
	_ =	sdelay $0x1  }
0xa1: {  	s23 =	simm.s32 $0x1B8B  }
0xa2: {  	_ =	swait.ge [sflag:s23], $0x1  }
0xa3: {  	[sflag:s23] =	ssyncset.done $0x0  }
0xa4: {  	s25 =	simm.s32 $0x1B8E;
	s24 =	sld [smem:$0x3FFE];
	[sflag:s23] =	ssyncadd.s32 $0xFFFFFFFF  }
0xa5: {  	s26 =	simm.s32 $execute0_lowered;
	[smem:$0x3FD2] =	sst s25  }
0xa6: {  	s4 =	sshll.u32 s26, $0x1;
	_ =	strace $0x80000046;
	[dreg:$0x1] =	wrdreg $0xFFFFFFFF  }
0xa7: {  	s28 =	simm.s32 $_size_execute0_lowered;
	s2 =	sadd.s32 s2, s4;
	[dreg:$0x0] =	wrdreg $0x0  }
0xa8: {  	s4 =	sshll.u32 s28, $0x1;
	[dreg:$0x2] =	wrdreg s2  }
0xa9: {  	[dreg:$0x3] =	wrdreg s4  }
0xaa: {  	[dreg:$0x4] =	wrdreg $0xC0  }
0xab: {  	_ =	task [dreg:s6], $0x5FFFF  }
0xac: {  	[dreg:$0x1] =	wrdreg $0xFFFFFFFF  }
0xad: {  	[dreg:$0x0] =	wrdreg $0x60  }
0xae: {  	[dreg:$0x2] =	wrdreg s24  }
0xaf: {  	[dreg:$0x3] =	wrdreg $0x9  }
0xb0: {  	_ =	task.clear_ibuf [dreg:s6], $0x4FFFF;
	_ =	strace $0x90000046  }
0xb1: {  	s29 =	simm.s32 $0x9;
	_ =	strace $0x80000048  }
0xb2: {  	_ =	swait.ge [sflag:s29], $0x1  }
0xb3: {  	[sflag:s29] =	ssyncadd.s32 $0xFFFFFFFF  }
0xb4: {  	_ =	strace $0x90000048  }
0xb5: {  	_ =	sfence  }
0xb6: {  	s30 =	sld [smem:$0x0];
	_ =	sdelay $0x2  }
0xb7: {  	s31 =	sshll.u32 s1, $0xD;
	s1 =	sshrl.u32 s1, $0x2  }
0xb8: {  	s3 =	sand.u32 $0x4000, s31;
	s1 =	sadd.s32 s1, s30  }
0xb9: {  	s0 =	sor.u32 s3, s0;
	s1 =	sshll.u32 s1, $0x11  }
0xba: {  	s0 =	sor.u32 s1, s0  }
0xbb: {  	s0 =	sadd.s32 $0x8F2B, s0  }
0xbc: {  	[sflag:s0] =	ssyncadd.remote.s32 $0x1  }
0xbd: {  	_ =	sfence.sel $0xFFFF  }
0xbe: {  	[dreg:$0x0] =	wrdreg $0xFFFFFFFF;
	(pc) =	sbr.abs _section_cstart, $3  }
0xbf: {  	[dreg:$0x1] =	wrdreg $0xFFFFFFFF  }
0xc0: {  	_ =	task.clear_ibuf [dreg:s6], $0x2FFFF;
	_ =	strace $0x9FFFFFFF  }
0xc1: {  	(tm) =	ssettm $0x7FFFFFFF  }
tec
execute0_lowered:
.L_overlay_start_1:
0x0: {  	(tag) =	ssettag $0x1  }
0x1: {  	s1 =	srdreg.scid  }
0x2: {  	s0 =	stileid.u32;
	s4 =	rddreg [dreg:$0x0]  }
0x3: {  	s2 =	simm.s32 $0x0;
	s8 =	simm.s32 $0x80;
	s9 =	simm.s32 $0x6800  }
0x4: {  	s10 =	simm.s32 $0x48;
	s11 =	simm.s32 $0x8800;
	s12 =	simm.s32 $0x9A00  }
0x5: {  	s13 =	simm.s32 $0xBA00;
	s14 =	simm.s32 $0x1;
	s15 =	simm.s32 $0x2  }
0x6: {  	s16 =	simm.s32 $0xCC00;
	s17 =	simm.s32 $0x0;
	s3 =	sand.u32 $0x1, s1  }
0x7: {  	s5 =	sshll.u32 s0, $0x8;
	[smem:$0x7FF] =	sst s2;
	s6 =	sshll.u32 s3, $0x7  }
0x8: {  	s1 =	rddreg [dreg:$0x1];
	_ =	strace $0x80000047;
	s5 =	sor.u32 s6, s5  }
0x9: {  	s7 =	ssub.s32 $0x2, s3;
	s6 =	smul.u32 $0x19, s5;
	s5 =	sshll.u32 s5, $0x3  }
0xa: {  	s3 =	sadd.s32 $0xF7C000, s4;
	s31 =	sshrl.u32 s7, $0x1;
	s5 =	sadd.s32 s5, s4  }
0xb: {  	s7 =	ssub.s32 s7, s31;
	s6 =	sadd.s32 s6, s4;
	s5 =	sadd.s32 $0x171D200, s5  }
0xc: {  	s4 =	sadd.s32 $0x20C00, s6;
	s6 =	smax.u32 s7, $0x1;
	s7 =	simm.s32 $0x3  }
.LBB2_1:
0xd: {  	s18 =	simm.s32 $0x19  }
0xe: {  	s21 =	sadd.s32 $0x0, s4;
	s19 =	simm.s32 $0xD0;
	s20 =	simm.s32 $0x0  }
.LBB2_2:
0xf: {  	[tilespmem:s20], [sflag:$0x3] =	stream.linear.gather [hbm4b:s21+s2], $0xC8, $0x38;
	[tilespmem:$0xEC00] =	vst v63  }
0x10: {  	s21 =	smov.u32 s18;
	s20 =	smov.u32 s19;
	p0 =	sne.s32 s18, $0xC67  }
.Ltmp0:
0x11: {  	s18 =	sadd.s32 $0x19, s18;
	(pc) =	sbr.rel @p0 .LBB2_2-.Ltmp0, $2  }
0x12: {  	_ =	sdelay $0x2  }
0x13: {  	s19 =	sadd.s32 $0xD0, s19;
	s21 =	sadd.s32 s21, s4  }
0x14: {  	[tilespmem:s20], [sflag:$0x3] =	stream.linear.gather [hbm4b:s21+s2], $0xC8, $0x38;
	[tilespmem:$0xEC00] =	vst v63  }
0x15: {  	_ =	swait.ge [sflag:s7], $0x6400  }
0x16: {  	[sflag:s7] =	ssyncset.done $0x0  }
0x17: {  	s18 =	simm.s32 $0x0;
	[sflag:s7] =	ssyncadd.s32 $0xFFFF9C00  }
0x18: {  	[tilespmem:s9], [sflag:$0x1] =	stream.indirect.gather [hbm4b:s3+s8], $0x40, s18, s8, $0xb8;
	[tilespmem:$0xEC00] =	vst v63  }
0x19: {  	_ = 	snop  }
0x1a: {  	[tilespmem:s11], [sflag:$0x1] =	stream.indirect.gather [hbm4b:s3+s10], $0x40, s8, s10, $0xb8;
	[tilespmem:$0xEC00] =	vst v63  }
.LBB2_4:
0x1b: {  	s19 =	sshllo.u32 s18, $0x1  }
0x1c: {  	s20 =	smul.u32 $0x340, s19;
	_ =	sdelay $0x1  }
0x1d: {  	s20 =	sshra.s32 s20, $0x2  }
0x1e: {  	[tilespmem:s12], [sflag:$0x2] =	stream.indirect.gather [hbm4b:s3+s8], $0x40, s20, s8, $0xb8;
	[tilespmem:$0xEC00] =	vst v63  }
0x1f: {  	s20 =	sadd.s32 $0x80, s20  }
0x20: {  	[tilespmem:s13], [sflag:$0x2] =	stream.indirect.gather [hbm4b:s3+s10], $0x40, s20, s10, $0xb8;
	[tilespmem:$0xEC00] =	vst v63  }
0x21: {  	_ =	swait.ge [sflag:s14], $0x2000  }
0x22: {  	[sflag:s14] =	ssyncset.done $0x0  }
0x23: {  	[sflag:s14] =	ssyncadd.s32 $0xFFFFE000  }
0x24: {  	_ =	swait.ge [sflag:s14], $0x1200  }
0x25: {  	[sflag:s14] =	ssyncset.done $0x0  }
0x26: {  	s20 =	simm.s32 $0x0;
	[sflag:s14] =	ssyncadd.s32 $0xFFFFEE00  }
0x27: {  	v1 =	vld [tilespmem:s20+$0x6840]  }
0x28: {  	v0 =	vld [tilespmem:s20+$0x6850]  }
0x29: {  	v2 =	vld [tilespmem:s20+$0x6800]  }
0x2a: {  	v5 =	vimm.f32 $0.0e+00;
	v3 =	vld [tilespmem:s20+$0x6810]  }
0x2b: {  	s21 =	simm.s32 $0x200;
	v7 =	vimm.f32 $0.0e+00;
	v8 =	vimm.f32 $0.0e+00;
	v6 =	vimm.f32 $0.0e+00;
	v4 =	vld [tilespmem:s20+$0x6820]  }
.LBB2_5:
0x2c: {  	p0 =	sne.s32 s21, $0xC600;
	v9 =	vld [tilespmem:s20+$0x6830];
	v10 =	vmov v1  }
0x2d: {  	v11 =	vld [tilespmem:s20+$0x6860];
	v12 =	vmov v0  }
0x2e: {  	v13 =	vld [tilespmem:s20+$0x6870];
	s20 =	sshra.s32 s21, $0x2  }
.Ltmp1:
0x2f: {  	v1 =	vld [tilespmem:s20+$0x6840];
	(pc) =	sbr.rel @p0 .LBB2_5-.Ltmp1, $4  }
0x30: {  	v5 =	vadd.f32 v2, v5;
	v7 =	vadd.f32 v3, v7;
	v0 =	vld [tilespmem:s20+$0x6850]  }
0x31: {  	v8 =	vadd.f32 v4, v8;
	v2 =	vld [tilespmem:s20+$0x6800];
	v6 =	vadd.f32 v9, v6  }
0x32: {  	v5 =	vadd.f32 v10, v5;
	v7 =	vadd.f32 v12, v7;
	v3 =	vld [tilespmem:s20+$0x6810]  }
0x33: {  	s21 =	sadd.s32 $0x200, s21;
	v8 =	vadd.f32 v11, v8;
	v4 =	vld [tilespmem:s20+$0x6820];
	v6 =	vadd.f32 v13, v6  }
0x34: {  	v9 =	vld [tilespmem:s20+$0x6830]  }
0x35: {  	v10 =	vld [tilespmem:s20+$0x6860]  }
0x36: {  	v11 =	vld [tilespmem:s20+$0x6870];
	v2 =	vadd.f32 v2, v5  }
0x37: {  	v3 =	vadd.f32 v3, v7  }
0x38: {  	s31 =	sshll.u32 s18, $0x7;
	v4 =	vadd.f32 v4, v8;
	v1 =	vadd.f32 v1, v2  }
0x39: {  	p0 =	seq.s32 s18, $0x3F;
	s20 =	sand.u32 $0x3FFFFF80, s31;
	v2 =	vadd.f32 v9, v6;
	v0 =	vadd.f32 v0, v3  }
0x3a: {  	s21 =	smul.u32 @!p0 $0x680, s18;
	v3 =	vadd.f32 v10, v4;
	[tilespmem:s20+$0xCC00] =	vst v1  }
0x3b: {  	v1 =	vadd.f32 v11, v2;
	[tilespmem:s20+$0xCC10] =	vst v0  }
0x3c: {  	s21 =	sshra.s32 @!p0 s21, $0x2;
	[tilespmem:s20+$0xCC20] =	vst v3  }
0x3d: {  	s22 =	simm.s32 @!p0 $0x80;
	s23 =	simm.s32 @!p0 $0x6800;
	[tilespmem:s20+$0xCC30] =	vst v1;
	s20 =	sadd.s32 @!p0 $0x1A0, s21  }
0x3e: {  	[tilespmem:s23], [sflag:$0x1] =	stream.indirect.gather @!p0 [hbm4b:s3+s22], $0x40, s20, s22, $0xb8;
	[tilespmem:$0xEC00] =	vst v63  }
0x3f: {  	s20 =	sadd.s32 @!p0 $0x220, s21;
	s21 =	simm.s32 @!p0 $0x48;
	s22 =	simm.s32 @!p0 $0x8800  }
0x40: {  	[tilespmem:s22], [sflag:$0x1] =	stream.indirect.gather @!p0 [hbm4b:s3+s21], $0x40, s20, s21, $0xb8;
	[tilespmem:$0xEC00] =	vst v63  }
0x41: {  	_ =	swait.ge [sflag:s15], $0x2000  }
0x42: {  	[sflag:s15] =	ssyncset.done $0x0  }
0x43: {  	[sflag:s15] =	ssyncadd.s32 $0xFFFFE000  }
0x44: {  	_ =	swait.ge [sflag:s15], $0x1200  }
0x45: {  	[sflag:s15] =	ssyncset.done $0x0  }
0x46: {  	s20 =	simm.s32 $0x0;
	[sflag:s15] =	ssyncadd.s32 $0xFFFFEE00  }
0x47: {  	v1 =	vld [tilespmem:s20+$0x9A40]  }
0x48: {  	v0 =	vld [tilespmem:s20+$0x9A50]  }
0x49: {  	v2 =	vld [tilespmem:s20+$0x9A00]  }
0x4a: {  	v5 =	vimm.f32 $0.0e+00;
	v3 =	vld [tilespmem:s20+$0x9A10]  }
0x4b: {  	v7 =	vimm.f32 $0.0e+00;
	v8 =	vimm.f32 $0.0e+00;
	v6 =	vimm.f32 $0.0e+00;
	s21 =	simm.s32 $0x200;
	v4 =	vld [tilespmem:s20+$0x9A20]  }
.LBB2_7:
0x4c: {  	p0 =	sne.s32 s21, $0xC600;
	v9 =	vld [tilespmem:s20+$0x9A30];
	v10 =	vmov v1  }
0x4d: {  	v11 =	vld [tilespmem:s20+$0x9A60];
	v12 =	vmov v0  }
0x4e: {  	v13 =	vld [tilespmem:s20+$0x9A70];
	s20 =	sshra.s32 s21, $0x2  }
.Ltmp2:
0x4f: {  	v1 =	vld [tilespmem:s20+$0x9A40];
	(pc) =	sbr.rel @p0 .LBB2_7-.Ltmp2, $4  }
0x50: {  	v5 =	vadd.f32 v2, v5;
	v7 =	vadd.f32 v3, v7;
	v0 =	vld [tilespmem:s20+$0x9A50]  }
0x51: {  	v8 =	vadd.f32 v4, v8;
	v2 =	vld [tilespmem:s20+$0x9A00];
	v6 =	vadd.f32 v9, v6  }
0x52: {  	v5 =	vadd.f32 v10, v5;
	v7 =	vadd.f32 v12, v7;
	v3 =	vld [tilespmem:s20+$0x9A10]  }
0x53: {  	s21 =	sadd.s32 $0x200, s21;
	v8 =	vadd.f32 v11, v8;
	v4 =	vld [tilespmem:s20+$0x9A20];
	v6 =	vadd.f32 v13, v6  }
0x54: {  	v9 =	vld [tilespmem:s20+$0x9A30]  }
0x55: {  	v10 =	vld [tilespmem:s20+$0x9A60]  }
0x56: {  	v11 =	vld [tilespmem:s20+$0x9A70];
	v2 =	vadd.f32 v2, v5  }
0x57: {  	s18 =	sadd.s32 $0x1, s18;
	v3 =	vadd.f32 v3, v7  }
0x58: {  	s19 =	sshll.u32 s19, $0x6;
	p0 =	sne.s32 s18, $0x40;
	v4 =	vadd.f32 v4, v8;
	v1 =	vadd.f32 v1, v2  }
.Ltmp3:
0x59: {  	s19 =	sand.u32 $0x3FFFFFC0, s19;
	v61 =	vadd.f32 v9, v6;
	v0 =	vadd.f32 v0, v3;
	(pc) =	sbr.rel @p0 .LBB2_4-.Ltmp3, $4  }
0x5a: {  	v62 =	vadd.f32 v10, v4;
	[tilespmem:s19+$0xCC00] =	vst v1  }
0x5b: {  	v63 =	vadd.f32 v11, v61;
	[tilespmem:s19+$0xCC10] =	vst v0  }
0x5c: {  	[tilespmem:s19+$0xCC20] =	vst v62  }
0x5d: {  	[tilespmem:s19+$0xCC30] =	vst v63  }
0x5e: {  	s17 =	sadd.s32 $0x1, s17  }
0x5f: {  	p0 =	sne.s32 s17, s6  }
.Ltmp4:
0x60: {  	_ = 	snop;
	(pc) =	sbr.rel @p0 .LBB2_1-.Ltmp4, $4  }
0x61: {  	[hbm4b:s5+s2] =	stream.linear.scatter [tilespmem:s16], [sflag:$0x3], $0x2000, $0x38;
	[tilespmem:$0xEC00] =	vst v63  }
0x62: {  	_ =	swait.ge [sflag:s7], $0x2000  }
0x63: {  	[sflag:s7] =	ssyncset.done $0x0  }
0x64: {  	[sflag:s7] =	ssyncadd.s32 $0xFFFFE000  }
0x65: {  	_ =	sfence.sel $0x180000  }
0x66: {  	[bflag:$0x0] =	sbarrier.arrive $0xFFFF  }
0x67: {  	p0 =	sne.s32 s0, $0x0;
	_ =	strace $0x90000047  }
0x68: {  	s0 =	sadd.s32 @!p0 $0x100000, s1;
	[bflag:$0x2] =	sbarrier.arrive $0xFFFF  }
0x69: {  	[sflag:s0] =	ssyncadd.tile.s32 @!p0 $0x1;
	_ =	shalt  }
.Lfunc_end2:
_tile_overlayer_lowered:
.L_overlay_start_2:
0x6a: {  	(tag) =	ssettag $0x2  }
0x6b: {  	s0 =	rddreg [dreg:$0x0];
	s2 =	stileid.u32  }
0x6c: {  	s1 =	rddreg [dreg:$0x1];
	p0 =	sne.s32 s2, $0x0  }
0x6d: {  	s3 =	rddreg [dreg:$0x2];
	[bflag:$0x3] =	sbarrier.arrive $0xFFFF;
	s2 =	simm.s32 @!p0 $0x1C03  }
0x6e: {  	[timem:s3], [sflag:s2] =	dma.local @!p0 [hbm:s0], s1  }
0x6f: {  	s0 =	simm.s32 @!p0 $0x3  }
0x70: {  	_ =	swait.ge @!p0 [sflag:s0], s1  }
0x71: {  	s1 =	ssub.s32 @!p0 $0x0, s1;
	[sflag:s0] =	ssyncset.done @!p0 $0x0  }
0x72: {  	[sflag:s0] =	ssyncadd.s32 @!p0 s1  }
0x73: {  	[bflag:$0x3] =	sbarrier.arrive $0xFFFF  }
0x74: {  	_ =	shalt  }

</sc_bundles>
